<compile_context>
chip_gen: v7x
topology: tpu7x:2x2x1
jax: 0.10.2.dev20260603
libtpu: 0.0.44.dev20260713+nightly
codegen_flags: <defaults>
</compile_context>

<pallas_src>
import jax
import jax.numpy as jnp
from jax import lax
from jax.experimental import pallas as pl
from jax.experimental.pallas import tpu as pltpu
from jax.experimental.pallas import tpu_sc as plsc

_N = 131072
_D = 64
_BC = 16384

_NUM_WORKERS = 32
_PER_W = _N // _NUM_WORKERS
_LANES = 16


def _sc_body(ct_hbm, dt_hbm, ntc_hbm, ntd_hbm, tc_v, td_v, ntc_v, ntd_v):
    wid = lax.axis_index("s") * 2 + lax.axis_index("c")
    base = wid * _PER_W
    pltpu.sync_copy(ct_hbm.at[0, pl.ds(base, _PER_W)], tc_v)
    pltpu.sync_copy(dt_hbm.at[0, pl.ds(base, _PER_W)], td_v)

    def step(i, _):
        for k in range(8):
            sl = pl.ds((i * 8 + k) * _LANES, _LANES)
            tcv = tc_v[sl]
            tdv = td_v[sl]
            straddle = ((tcv - tdv) < 0.0) & ((tcv + tdv) >= 0.0)
            ntc_v[sl] = jnp.where(straddle, 0.75 * tcv, tcv)
            ntd_v[sl] = jnp.where(straddle, 1.25 * tdv, tdv)
        return ()

    lax.fori_loop(0, _PER_W // (_LANES * 8), step, ())
    pltpu.sync_copy(ntc_v, ntc_hbm.at[pl.ds(base, _PER_W)])
    pltpu.sync_copy(ntd_v, ntd_hbm.at[pl.ds(base, _PER_W)])


_sc_branch = pl.kernel(
    _sc_body,
    out_type=(
        jax.ShapeDtypeStruct((_N,), jnp.float32),
        jax.ShapeDtypeStruct((_N,), jnp.float32),
    ),
    mesh=plsc.VectorSubcoreMesh(core_axis_name="c", subcore_axis_name="s"),
    scratch_types=[
        pltpu.VMEM((_PER_W,), jnp.float32),
        pltpu.VMEM((_PER_W,), jnp.float32),
        pltpu.VMEM((_PER_W,), jnp.float32),
        pltpu.VMEM((_PER_W,), jnp.float32),
    ],
    compiler_params=pltpu.CompilerParams(
        use_tc_tiling_on_sc=True,
        skip_device_barrier=True,
    ),
)


def _tc_body(c_ref, d_ref, ntc_ref, ntd_ref, out_ref):
    cv = c_ref[...]
    dv = d_ref[...]
    row0 = jax.lax.broadcasted_iota(jnp.int32, (_D, 1), 0) == 0
    out_ref[0] = jnp.where(row0, ntc_ref[...].reshape(1, _BC), cv)
    out_ref[1] = jnp.where(row0, ntd_ref[...].reshape(1, _BC), dv)


def kernel(c, delta):
    ct = c.T
    dt = delta.T
    ntc, ntd = _sc_branch(ct, dt)
    out_t = pl.pallas_call(
        _tc_body,
        grid=(_N // _BC,),
        in_specs=[
            pl.BlockSpec((_D, _BC), lambda i: (0, i)),
            pl.BlockSpec((_D, _BC), lambda i: (0, i)),
            pl.BlockSpec((_BC,), lambda i: (i,)),
            pl.BlockSpec((_BC,), lambda i: (i,)),
        ],
        out_specs=pl.BlockSpec((2, _D, _BC), lambda i: (0, 0, i)),
        out_shape=jax.ShapeDtypeStruct((2, _D, _N), jnp.float32),
        compiler_params=pltpu.CompilerParams(
            dimension_semantics=("arbitrary",),
        ),
    )(ct, dt, ntc, ntd)
    return out_t.transpose(0, 2, 1)

# --- scband reference (transcript-rebuilt; emitter-appended) ---
"""Pipeline reference for scband-if-else-37263136260525 (READ-ONLY COPY).

The authoritative reference and input builder live on the scoring server;
editing this copy changes nothing except your own understanding.
"""

import jax, jax.numpy as jnp
import numpy as np

TARGET_IDX = 0
TEST = 0.0


def setup_inputs(seed: int = 0) -> dict:
    key = jax.random.key(seed)
    k1, k2 = jax.random.split(key)
    c = jax.random.normal(k1, (131072, 64), dtype=jnp.float32)
    delta = jax.random.uniform(k2, (131072, 64), dtype=jnp.float32)
    return {"c": c, "delta": delta}


def _branch_intervals(tc, td, test):
    # masks: which boxes take the left (body) / right (orelse) branch
    left_mask = (tc - td) < test
    right_mask = (tc + td) >= test
    # left-branch clipped interval; replicate original op order exactly
    # (new center is computed first, then delta uses the NEW center with OLD delta)
    lc = (tc - td + jnp.minimum(tc + td, test)) / 2.0
    ld = (jnp.minimum(lc + td, test) - (lc - td)) / 2.0
    # right-branch clipped interval; same faithful op order
    rc = (jnp.maximum(tc - td, test) + (tc + td)) / 2.0
    rd = (rc + td - jnp.maximum(rc - td, test)) / 2.0
    return left_mask, right_mask, lc, ld, rc, rd


def reference(c, delta):
    # IfElse over abstract Box domain: split on target dim, run body/orelse
    # (identity sub-programs here), then sound_join the two branch tables.
    tc = c[:, TARGET_IDX:TARGET_IDX + 1]
    td = delta[:, TARGET_IDX:TARGET_IDX + 1]
    left_mask, right_mask, lc, ld, rc, rd = _branch_intervals(tc, td, TEST)

    # sound_join: boxes present in both branches (straddle the test) get the
    # interval hull of the two clipped intervals; otherwise keep the single
    # branch interval. Non-target dims are unchanged by identity body/orelse,
    # so their hull equals the original values.
    both = left_mask & right_mask
    left_lo, left_hi = lc - ld, lc + ld
    right_lo, right_hi = rc - rd, rc + rd
    j_lo = jnp.minimum(left_lo, right_lo)
    j_hi = jnp.maximum(left_hi, right_hi)
    jc = (j_lo + j_hi) / 2.0
    jd = (j_hi - j_lo) / 2.0

    new_tc = jnp.where(both, jc, jnp.where(left_mask, lc, jnp.where(right_mask, rc, tc)))
    new_td = jnp.where(both, jd, jnp.where(left_mask, ld, jnp.where(right_mask, rd, td)))

    c_out = c.at[:, TARGET_IDX:TARGET_IDX + 1].set(new_tc)
    delta_out = delta.at[:, TARGET_IDX:TARGET_IDX + 1].set(new_td)
    return jnp.stack([c_out, delta_out])

if __name__ == "__main__":
    import jax
    _d = setup_inputs()
    print(jax.jit(kernel)(*tuple(_d.values())))

</pallas_src>

<mosaic_0001>
#map = affine_map<(d0, d1) -> (0, 0)>
#map1 = affine_map<(d0, d1) -> (0)>
module attributes {stable_mosaic.version = 14 : i64} {
  func.func @_sc_body(%arg0: i32, %arg1: i32, %arg2: memref<64x131072xf32, #tpu.memory_space<hbm>>, %arg3: memref<64x131072xf32, #tpu.memory_space<hbm>>, %arg4: memref<131072xf32, #tpu.memory_space<hbm>>, %arg5: memref<131072xf32, #tpu.memory_space<hbm>>, %arg6: memref<4096xf32, #tpu.memory_space<vmem>>, %arg7: memref<4096xf32, #tpu.memory_space<vmem>>, %arg8: memref<4096xf32, #tpu.memory_space<vmem>>, %arg9: memref<4096xf32, #tpu.memory_space<vmem>>) attributes {dimension_semantics = [#tpu.dimension_semantics<core_parallel>, #tpu.dimension_semantics<subcore_parallel>], iteration_bounds = array<i64: 2, 16>, scalar_prefetch = 0 : i64, scratch_operands = 4 : i64, tpu.core_type = #tpu.core_type<sc_vector_subcore>, window_params = [{transform_indices = #map}, {transform_indices = #map}, {transform_indices = #map1}, {transform_indices = #map1}]} {
    %mul3A = arith.constant 2 : i32
    %mul3A_0 = arith.muli %arg1, %mul3A : i32
    %add3A = arith.addi %mul3A_0, %arg0 : i32
    %mul3A_1 = arith.constant 4096 : i32
    %mul3A_2 = arith.muli %add3A, %mul3A_1 : i32
    %run_scoped3A = arith.constant 0 : i32
    "tpu.region"() ({
      %run_scoped3A_8 = tpu.sem_alloc : memref<!tpu.dma_semaphore, #tpu.memory_space<semaphore_mem>>
      %dma_start3A = tpu.memref_slice %arg2[%run_scoped3A, %mul3A_2] : memref<64x131072xf32, #tpu.memory_space<hbm>> -> memref<1x4096xf32, #tpu.memory_space<hbm>>
      %dma_start3A_9 = tpu.memref_squeeze %dma_start3A : memref<1x4096xf32, #tpu.memory_space<hbm>> -> memref<4096xf32, #tpu.memory_space<hbm>>
      %dma_start3A_10 = tpu.memref_slice %arg2[%run_scoped3A, %mul3A_2] : memref<64x131072xf32, #tpu.memory_space<hbm>> -> memref<1x4096xf32, #tpu.memory_space<hbm>>
      %dma_start3A_11 = tpu.memref_squeeze %dma_start3A_10 : memref<1x4096xf32, #tpu.memory_space<hbm>> -> memref<4096xf32, #tpu.memory_space<hbm>>
      tpu.enqueue_dma source(%dma_start3A_11 : memref<4096xf32, #tpu.memory_space<hbm>>) target(%arg6 : memref<4096xf32, #tpu.memory_space<vmem>>) target_semaphore(%run_scoped3A_8 : memref<!tpu.dma_semaphore, #tpu.memory_space<semaphore_mem>>)
      %dma_wait3A = tpu.memref_slice %arg2[%run_scoped3A, %mul3A_2] : memref<64x131072xf32, #tpu.memory_space<hbm>> -> memref<1x4096xf32, #tpu.memory_space<hbm>>
      %dma_wait3A_12 = tpu.memref_squeeze %dma_wait3A : memref<1x4096xf32, #tpu.memory_space<hbm>> -> memref<4096xf32, #tpu.memory_space<hbm>>
      %dma_wait3A_13 = tpu.memref_slice %arg2[%run_scoped3A, %mul3A_2] : memref<64x131072xf32, #tpu.memory_space<hbm>> -> memref<1x4096xf32, #tpu.memory_space<hbm>>
      %dma_wait3A_14 = tpu.memref_squeeze %dma_wait3A_13 : memref<1x4096xf32, #tpu.memory_space<hbm>> -> memref<4096xf32, #tpu.memory_space<hbm>>
      tpu.wait_dma2 semaphore(%run_scoped3A_8 : memref<!tpu.dma_semaphore, #tpu.memory_space<semaphore_mem>>) src(%dma_wait3A_14 : memref<4096xf32, #tpu.memory_space<hbm>>) dst(%arg6 : memref<4096xf32, #tpu.memory_space<vmem>>)
      tpu.yield
    }) : () -> ()
    %run_scoped3A_3 = arith.constant 0 : i32
    "tpu.region"() ({
      %run_scoped3A_8 = tpu.sem_alloc : memref<!tpu.dma_semaphore, #tpu.memory_space<semaphore_mem>>
      %dma_start3A = tpu.memref_slice %arg3[%run_scoped3A_3, %mul3A_2] : memref<64x131072xf32, #tpu.memory_space<hbm>> -> memref<1x4096xf32, #tpu.memory_space<hbm>>
      %dma_start3A_9 = tpu.memref_squeeze %dma_start3A : memref<1x4096xf32, #tpu.memory_space<hbm>> -> memref<4096xf32, #tpu.memory_space<hbm>>
      %dma_start3A_10 = tpu.memref_slice %arg3[%run_scoped3A_3, %mul3A_2] : memref<64x131072xf32, #tpu.memory_space<hbm>> -> memref<1x4096xf32, #tpu.memory_space<hbm>>
      %dma_start3A_11 = tpu.memref_squeeze %dma_start3A_10 : memref<1x4096xf32, #tpu.memory_space<hbm>> -> memref<4096xf32, #tpu.memory_space<hbm>>
      tpu.enqueue_dma source(%dma_start3A_11 : memref<4096xf32, #tpu.memory_space<hbm>>) target(%arg7 : memref<4096xf32, #tpu.memory_space<vmem>>) target_semaphore(%run_scoped3A_8 : memref<!tpu.dma_semaphore, #tpu.memory_space<semaphore_mem>>)
      %dma_wait3A = tpu.memref_slice %arg3[%run_scoped3A_3, %mul3A_2] : memref<64x131072xf32, #tpu.memory_space<hbm>> -> memref<1x4096xf32, #tpu.memory_space<hbm>>
      %dma_wait3A_12 = tpu.memref_squeeze %dma_wait3A : memref<1x4096xf32, #tpu.memory_space<hbm>> -> memref<4096xf32, #tpu.memory_space<hbm>>
      %dma_wait3A_13 = tpu.memref_slice %arg3[%run_scoped3A_3, %mul3A_2] : memref<64x131072xf32, #tpu.memory_space<hbm>> -> memref<1x4096xf32, #tpu.memory_space<hbm>>
      %dma_wait3A_14 = tpu.memref_squeeze %dma_wait3A_13 : memref<1x4096xf32, #tpu.memory_space<hbm>> -> memref<4096xf32, #tpu.memory_space<hbm>>
      tpu.wait_dma2 semaphore(%run_scoped3A_8 : memref<!tpu.dma_semaphore, #tpu.memory_space<semaphore_mem>>) src(%dma_wait3A_14 : memref<4096xf32, #tpu.memory_space<hbm>>) dst(%arg7 : memref<4096xf32, #tpu.memory_space<vmem>>)
      tpu.yield
    }) : () -> ()
    %scan3A = arith.constant 0 : i32
    %scan3A_4 = arith.constant 32 : i32
    %scan3A_5 = arith.addi %scan3A, %scan3A_4 : i32
    %scan3A_6 = arith.constant 1 : i32
    scf.for %scan3A_8 = %scan3A to %scan3A_5 step %scan3A_6  : i32 {
      %mul3A_9 = arith.constant 8 : i32
      %mul3A_10 = arith.muli %scan3A_8, %mul3A_9 : i32
      %add3A_11 = arith.constant 0 : i32
      %add3A_12 = arith.addi %mul3A_10, %add3A_11 : i32
      %mul3A_13 = arith.constant 16 : i32
      %mul3A_14 = arith.muli %add3A_12, %mul3A_13 : i32
      %get3A = arith.index_cast %mul3A_14 : i32 to index
      %get3A_15 = tpu.vector_load %arg6[%get3A] {strides = array<i32>} : memref<4096xf32, #tpu.memory_space<vmem>>, vector<16xf32>,
      %get3A_16 = vector.shape_cast %get3A_15 : vector<16xf32> to vector<16xf32>
      %get3A_17 = arith.index_cast %mul3A_14 : i32 to index
      %get3A_18 = tpu.vector_load %arg7[%get3A_17] {strides = array<i32>} : memref<4096xf32, #tpu.memory_space<vmem>>, vector<16xf32>,
      %get3A_19 = vector.shape_cast %get3A_18 : vector<16xf32> to vector<16xf32>
      %sub3A = arith.subf %get3A_16, %get3A_19 : vector<16xf32>
      %lt3A = arith.constant 0.000000e+00 : f32
      %lt3A_20 = vector.broadcast %lt3A : f32 to vector<16xf32>
      %lt3A_21 = arith.cmpf olt, %sub3A, %lt3A_20 : vector<16xf32>
      %add3A_22 = arith.addf %get3A_16, %get3A_19 : vector<16xf32>
      %ge3A = arith.constant 0.000000e+00 : f32
      %ge3A_23 = vector.broadcast %ge3A : f32 to vector<16xf32>
      %ge3A_24 = arith.cmpf oge, %add3A_22, %ge3A_23 : vector<16xf32>
      %and3A = arith.andi %lt3A_21, %ge3A_24 : vector<16xi1>
      %mul3A_25 = arith.constant 7.500000e-01 : f32
      %mul3A_26 = vector.broadcast %mul3A_25 : f32 to vector<16xf32>
      %mul3A_27 = arith.mulf %mul3A_26, %get3A_16 : vector<16xf32>
      %select_n3A = arith.select %and3A, %mul3A_27, %get3A_16 : vector<16xi1>, vector<16xf32>
      %swap3A = arith.index_cast %mul3A_14 : i32 to index
      %swap3A_28 = tpu.vector_load %arg8[%swap3A] {strides = array<i32>} : memref<4096xf32, #tpu.memory_space<vmem>>, vector<16xf32>,
      %swap3A_29 = vector.shape_cast %swap3A_28 : vector<16xf32> to vector<16xf32>
      %swap3A_30 = vector.shape_cast %select_n3A : vector<16xf32> to vector<16xf32>
      tpu.vector_store %arg8[%swap3A], %swap3A_30 {strides = array<i32>} : memref<4096xf32, #tpu.memory_space<vmem>>, vector<16xf32>,
      %mul3A_31 = arith.constant 1.250000e+00 : f32
      %mul3A_32 = vector.broadcast %mul3A_31 : f32 to vector<16xf32>
      %mul3A_33 = arith.mulf %mul3A_32, %get3A_19 : vector<16xf32>
      %select_n3A_34 = arith.select %and3A, %mul3A_33, %get3A_19 : vector<16xi1>, vector<16xf32>
      %swap3A_35 = arith.index_cast %mul3A_14 : i32 to index
      %swap3A_36 = tpu.vector_load %arg9[%swap3A_35] {strides = array<i32>} : memref<4096xf32, #tpu.memory_space<vmem>>, vector<16xf32>,
      %swap3A_37 = vector.shape_cast %swap3A_36 : vector<16xf32> to vector<16xf32>
      %swap3A_38 = vector.shape_cast %select_n3A_34 : vector<16xf32> to vector<16xf32>
      tpu.vector_store %arg9[%swap3A_35], %swap3A_38 {strides = array<i32>} : memref<4096xf32, #tpu.memory_space<vmem>>, vector<16xf32>,
      %mul3A_39 = arith.constant 8 : i32
      %mul3A_40 = arith.muli %scan3A_8, %mul3A_39 : i32
      %add3A_41 = arith.constant 1 : i32
      %add3A_42 = arith.addi %mul3A_40, %add3A_41 : i32
      %mul3A_43 = arith.constant 16 : i32
      %mul3A_44 = arith.muli %add3A_42, %mul3A_43 : i32
      %get3A_45 = arith.index_cast %mul3A_44 : i32 to index
      %get3A_46 = tpu.vector_load %arg6[%get3A_45] {strides = array<i32>} : memref<4096xf32, #tpu.memory_space<vmem>>, vector<16xf32>,
      %get3A_47 = vector.shape_cast %get3A_46 : vector<16xf32> to vector<16xf32>
      %get3A_48 = arith.index_cast %mul3A_44 : i32 to index
      %get3A_49 = tpu.vector_load %arg7[%get3A_48] {strides = array<i32>} : memref<4096xf32, #tpu.memory_space<vmem>>, vector<16xf32>,
      %get3A_50 = vector.shape_cast %get3A_49 : vector<16xf32> to vector<16xf32>
      %sub3A_51 = arith.subf %get3A_47, %get3A_50 : vector<16xf32>
      %lt3A_52 = arith.constant 0.000000e+00 : f32
      %lt3A_53 = vector.broadcast %lt3A_52 : f32 to vector<16xf32>
      %lt3A_54 = arith.cmpf olt, %sub3A_51, %lt3A_53 : vector<16xf32>
      %add3A_55 = arith.addf %get3A_47, %get3A_50 : vector<16xf32>
      %ge3A_56 = arith.constant 0.000000e+00 : f32
      %ge3A_57 = vector.broadcast %ge3A_56 : f32 to vector<16xf32>
      %ge3A_58 = arith.cmpf oge, %add3A_55, %ge3A_57 : vector<16xf32>
      %and3A_59 = arith.andi %lt3A_54, %ge3A_58 : vector<16xi1>
      %mul3A_60 = arith.constant 7.500000e-01 : f32
      %mul3A_61 = vector.broadcast %mul3A_60 : f32 to vector<16xf32>
      %mul3A_62 = arith.mulf %mul3A_61, %get3A_47 : vector<16xf32>
      %select_n3A_63 = arith.select %and3A_59, %mul3A_62, %get3A_47 : vector<16xi1>, vector<16xf32>
      %swap3A_64 = arith.index_cast %mul3A_44 : i32 to index
      %swap3A_65 = tpu.vector_load %arg8[%swap3A_64] {strides = array<i32>} : memref<4096xf32, #tpu.memory_space<vmem>>, vector<16xf32>,
      %swap3A_66 = vector.shape_cast %swap3A_65 : vector<16xf32> to vector<16xf32>
      %swap3A_67 = vector.shape_cast %select_n3A_63 : vector<16xf32> to vector<16xf32>
      tpu.vector_store %arg8[%swap3A_64], %swap3A_67 {strides = array<i32>} : memref<4096xf32, #tpu.memory_space<vmem>>, vector<16xf32>,
      %mul3A_68 = arith.constant 1.250000e+00 : f32
      %mul3A_69 = vector.broadcast %mul3A_68 : f32 to vector<16xf32>
      %mul3A_70 = arith.mulf %mul3A_69, %get3A_50 : vector<16xf32>
      %select_n3A_71 = arith.select %and3A_59, %mul3A_70, %get3A_50 : vector<16xi1>, vector<16xf32>
      %swap3A_72 = arith.index_cast %mul3A_44 : i32 to index
      %swap3A_73 = tpu.vector_load %arg9[%swap3A_72] {strides = array<i32>} : memref<4096xf32, #tpu.memory_space<vmem>>, vector<16xf32>,
      %swap3A_74 = vector.shape_cast %swap3A_73 : vector<16xf32> to vector<16xf32>
      %swap3A_75 = vector.shape_cast %select_n3A_71 : vector<16xf32> to vector<16xf32>
      tpu.vector_store %arg9[%swap3A_72], %swap3A_75 {strides = array<i32>} : memref<4096xf32, #tpu.memory_space<vmem>>, vector<16xf32>,
      %mul3A_76 = arith.constant 8 : i32
      %mul3A_77 = arith.muli %scan3A_8, %mul3A_76 : i32
      %add3A_78 = arith.constant 2 : i32
      %add3A_79 = arith.addi %mul3A_77, %add3A_78 : i32
      %mul3A_80 = arith.constant 16 : i32
      %mul3A_81 = arith.muli %add3A_79, %mul3A_80 : i32
      %get3A_82 = arith.index_cast %mul3A_81 : i32 to index
      %get3A_83 = tpu.vector_load %arg6[%get3A_82] {strides = array<i32>} : memref<4096xf32, #tpu.memory_space<vmem>>, vector<16xf32>,
      %get3A_84 = vector.shape_cast %get3A_83 : vector<16xf32> to vector<16xf32>
      %get3A_85 = arith.index_cast %mul3A_81 : i32 to index
      %get3A_86 = tpu.vector_load %arg7[%get3A_85] {strides = array<i32>} : memref<4096xf32, #tpu.memory_space<vmem>>, vector<16xf32>,
      %get3A_87 = vector.shape_cast %get3A_86 : vector<16xf32> to vector<16xf32>
      %sub3A_88 = arith.subf %get3A_84, %get3A_87 : vector<16xf32>
      %lt3A_89 = arith.constant 0.000000e+00 : f32
      %lt3A_90 = vector.broadcast %lt3A_89 : f32 to vector<16xf32>
      %lt3A_91 = arith.cmpf olt, %sub3A_88, %lt3A_90 : vector<16xf32>
      %add3A_92 = arith.addf %get3A_84, %get3A_87 : vector<16xf32>
      %ge3A_93 = arith.constant 0.000000e+00 : f32
      %ge3A_94 = vector.broadcast %ge3A_93 : f32 to vector<16xf32>
      %ge3A_95 = arith.cmpf oge, %add3A_92, %ge3A_94 : vector<16xf32>
      %and3A_96 = arith.andi %lt3A_91, %ge3A_95 : vector<16xi1>
      %mul3A_97 = arith.constant 7.500000e-01 : f32
      %mul3A_98 = vector.broadcast %mul3A_97 : f32 to vector<16xf32>
      %mul3A_99 = arith.mulf %mul3A_98, %get3A_84 : vector<16xf32>
      %select_n3A_100 = arith.select %and3A_96, %mul3A_99, %get3A_84 : vector<16xi1>, vector<16xf32>
      %swap3A_101 = arith.index_cast %mul3A_81 : i32 to index
      %swap3A_102 = tpu.vector_load %arg8[%swap3A_101] {strides = array<i32>} : memref<4096xf32, #tpu.memory_space<vmem>>, vector<16xf32>,
      %swap3A_103 = vector.shape_cast %swap3A_102 : vector<16xf32> to vector<16xf32>
      %swap3A_104 = vector.shape_cast %select_n3A_100 : vector<16xf32> to vector<16xf32>
      tpu.vector_store %arg8[%swap3A_101], %swap3A_104 {strides = array<i32>} : memref<4096xf32, #tpu.memory_space<vmem>>, vector<16xf32>,
      %mul3A_105 = arith.constant 1.250000e+00 : f32
      %mul3A_106 = vector.broadcast %mul3A_105 : f32 to vector<16xf32>
      %mul3A_107 = arith.mulf %mul3A_106, %get3A_87 : vector<16xf32>
      %select_n3A_108 = arith.select %and3A_96, %mul3A_107, %get3A_87 : vector<16xi1>, vector<16xf32>
      %swap3A_109 = arith.index_cast %mul3A_81 : i32 to index
      %swap3A_110 = tpu.vector_load %arg9[%swap3A_109] {strides = array<i32>} : memref<4096xf32, #tpu.memory_space<vmem>>, vector<16xf32>,
      %swap3A_111 = vector.shape_cast %swap3A_110 : vector<16xf32> to vector<16xf32>
      %swap3A_112 = vector.shape_cast %select_n3A_108 : vector<16xf32> to vector<16xf32>
      tpu.vector_store %arg9[%swap3A_109], %swap3A_112 {strides = array<i32>} : memref<4096xf32, #tpu.memory_space<vmem>>, vector<16xf32>,
      %mul3A_113 = arith.constant 8 : i32
      %mul3A_114 = arith.muli %scan3A_8, %mul3A_113 : i32
      %add3A_115 = arith.constant 3 : i32
      %add3A_116 = arith.addi %mul3A_114, %add3A_115 : i32
      %mul3A_117 = arith.constant 16 : i32
      %mul3A_118 = arith.muli %add3A_116, %mul3A_117 : i32
      %get3A_119 = arith.index_cast %mul3A_118 : i32 to index
      %get3A_120 = tpu.vector_load %arg6[%get3A_119] {strides = array<i32>} : memref<4096xf32, #tpu.memory_space<vmem>>, vector<16xf32>,
      %get3A_121 = vector.shape_cast %get3A_120 : vector<16xf32> to vector<16xf32>
      %get3A_122 = arith.index_cast %mul3A_118 : i32 to index
      %get3A_123 = tpu.vector_load %arg7[%get3A_122] {strides = array<i32>} : memref<4096xf32, #tpu.memory_space<vmem>>, vector<16xf32>,
      %get3A_124 = vector.shape_cast %get3A_123 : vector<16xf32> to vector<16xf32>
      %sub3A_125 = arith.subf %get3A_121, %get3A_124 : vector<16xf32>
      %lt3A_126 = arith.constant 0.000000e+00 : f32
      %lt3A_127 = vector.broadcast %lt3A_126 : f32 to vector<16xf32>
      %lt3A_128 = arith.cmpf olt, %sub3A_125, %lt3A_127 : vector<16xf32>
      %add3A_129 = arith.addf %get3A_121, %get3A_124 : vector<16xf32>
      %ge3A_130 = arith.constant 0.000000e+00 : f32
      %ge3A_131 = vector.broadcast %ge3A_130 : f32 to vector<16xf32>
      %ge3A_132 = arith.cmpf oge, %add3A_129, %ge3A_131 : vector<16xf32>
      %and3A_133 = arith.andi %lt3A_128, %ge3A_132 : vector<16xi1>
      %mul3A_134 = arith.constant 7.500000e-01 : f32
      %mul3A_135 = vector.broadcast %mul3A_134 : f32 to vector<16xf32>
      %mul3A_136 = arith.mulf %mul3A_135, %get3A_121 : vector<16xf32>
      %select_n3A_137 = arith.select %and3A_133, %mul3A_136, %get3A_121 : vector<16xi1>, vector<16xf32>
      %swap3A_138 = arith.index_cast %mul3A_118 : i32 to index
      %swap3A_139 = tpu.vector_load %arg8[%swap3A_138] {strides = array<i32>} : memref<4096xf32, #tpu.memory_space<vmem>>, vector<16xf32>,
      %swap3A_140 = vector.shape_cast %swap3A_139 : vector<16xf32> to vector<16xf32>
      %swap3A_141 = vector.shape_cast %select_n3A_137 : vector<16xf32> to vector<16xf32>
      tpu.vector_store %arg8[%swap3A_138], %swap3A_141 {strides = array<i32>} : memref<4096xf32, #tpu.memory_space<vmem>>, vector<16xf32>,
      %mul3A_142 = arith.constant 1.250000e+00 : f32
      %mul3A_143 = vector.broadcast %mul3A_142 : f32 to vector<16xf32>
      %mul3A_144 = arith.mulf %mul3A_143, %get3A_124 : vector<16xf32>
      %select_n3A_145 = arith.select %and3A_133, %mul3A_144, %get3A_124 : vector<16xi1>, vector<16xf32>
      %swap3A_146 = arith.index_cast %mul3A_118 : i32 to index
      %swap3A_147 = tpu.vector_load %arg9[%swap3A_146] {strides = array<i32>} : memref<4096xf32, #tpu.memory_space<vmem>>, vector<16xf32>,
      %swap3A_148 = vector.shape_cast %swap3A_147 : vector<16xf32> to vector<16xf32>
      %swap3A_149 = vector.shape_cast %select_n3A_145 : vector<16xf32> to vector<16xf32>
      tpu.vector_store %arg9[%swap3A_146], %swap3A_149 {strides = array<i32>} : memref<4096xf32, #tpu.memory_space<vmem>>, vector<16xf32>,
      %mul3A_150 = arith.constant 8 : i32
      %mul3A_151 = arith.muli %scan3A_8, %mul3A_150 : i32
      %add3A_152 = arith.constant 4 : i32
      %add3A_153 = arith.addi %mul3A_151, %add3A_152 : i32
      %mul3A_154 = arith.constant 16 : i32
      %mul3A_155 = arith.muli %add3A_153, %mul3A_154 : i32
      %get3A_156 = arith.index_cast %mul3A_155 : i32 to index
      %get3A_157 = tpu.vector_load %arg6[%get3A_156] {strides = array<i32>} : memref<4096xf32, #tpu.memory_space<vmem>>, vector<16xf32>,
      %get3A_158 = vector.shape_cast %get3A_157 : vector<16xf32> to vector<16xf32>
      %get3A_159 = arith.index_cast %mul3A_155 : i32 to index
      %get3A_160 = tpu.vector_load %arg7[%get3A_159] {strides = array<i32>} : memref<4096xf32, #tpu.memory_space<vmem>>, vector<16xf32>,
      %get3A_161 = vector.shape_cast %get3A_160 : vector<16xf32> to vector<16xf32>
      %sub3A_162 = arith.subf %get3A_158, %get3A_161 : vector<16xf32>
      %lt3A_163 = arith.constant 0.000000e+00 : f32
      %lt3A_164 = vector.broadcast %lt3A_163 : f32 to vector<16xf32>
      %lt3A_165 = arith.cmpf olt, %sub3A_162, %lt3A_164 : vector<16xf32>
      %add3A_166 = arith.addf %get3A_158, %get3A_161 : vector<16xf32>
      %ge3A_167 = arith.constant 0.000000e+00 : f32
      %ge3A_168 = vector.broadcast %ge3A_167 : f32 to vector<16xf32>
      %ge3A_169 = arith.cmpf oge, %add3A_166, %ge3A_168 : vector<16xf32>
      %and3A_170 = arith.andi %lt3A_165, %ge3A_169 : vector<16xi1>
      %mul3A_171 = arith.constant 7.500000e-01 : f32
      %mul3A_172 = vector.broadcast %mul3A_171 : f32 to vector<16xf32>
      %mul3A_173 = arith.mulf %mul3A_172, %get3A_158 : vector<16xf32>
      %select_n3A_174 = arith.select %and3A_170, %mul3A_173, %get3A_158 : vector<16xi1>, vector<16xf32>
      %swap3A_175 = arith.index_cast %mul3A_155 : i32 to index
      %swap3A_176 = tpu.vector_load %arg8[%swap3A_175] {strides = array<i32>} : memref<4096xf32, #tpu.memory_space<vmem>>, vector<16xf32>,
      %swap3A_177 = vector.shape_cast %swap3A_176 : vector<16xf32> to vector<16xf32>
      %swap3A_178 = vector.shape_cast %select_n3A_174 : vector<16xf32> to vector<16xf32>
      tpu.vector_store %arg8[%swap3A_175], %swap3A_178 {strides = array<i32>} : memref<4096xf32, #tpu.memory_space<vmem>>, vector<16xf32>,
      %mul3A_179 = arith.constant 1.250000e+00 : f32
      %mul3A_180 = vector.broadcast %mul3A_179 : f32 to vector<16xf32>
      %mul3A_181 = arith.mulf %mul3A_180, %get3A_161 : vector<16xf32>
      %select_n3A_182 = arith.select %and3A_170, %mul3A_181, %get3A_161 : vector<16xi1>, vector<16xf32>
      %swap3A_183 = arith.index_cast %mul3A_155 : i32 to index
      %swap3A_184 = tpu.vector_load %arg9[%swap3A_183] {strides = array<i32>} : memref<4096xf32, #tpu.memory_space<vmem>>, vector<16xf32>,
      %swap3A_185 = vector.shape_cast %swap3A_184 : vector<16xf32> to vector<16xf32>
      %swap3A_186 = vector.shape_cast %select_n3A_182 : vector<16xf32> to vector<16xf32>
      tpu.vector_store %arg9[%swap3A_183], %swap3A_186 {strides = array<i32>} : memref<4096xf32, #tpu.memory_space<vmem>>, vector<16xf32>,
      %mul3A_187 = arith.constant 8 : i32
      %mul3A_188 = arith.muli %scan3A_8, %mul3A_187 : i32
      %add3A_189 = arith.constant 5 : i32
      %add3A_190 = arith.addi %mul3A_188, %add3A_189 : i32
      %mul3A_191 = arith.constant 16 : i32
      %mul3A_192 = arith.muli %add3A_190, %mul3A_191 : i32
      %get3A_193 = arith.index_cast %mul3A_192 : i32 to index
      %get3A_194 = tpu.vector_load %arg6[%get3A_193] {strides = array<i32>} : memref<4096xf32, #tpu.memory_space<vmem>>, vector<16xf32>,
      %get3A_195 = vector.shape_cast %get3A_194 : vector<16xf32> to vector<16xf32>
      %get3A_196 = arith.index_cast %mul3A_192 : i32 to index
      %get3A_197 = tpu.vector_load %arg7[%get3A_196] {strides = array<i32>} : memref<4096xf32, #tpu.memory_space<vmem>>, vector<16xf32>,
      %get3A_198 = vector.shape_cast %get3A_197 : vector<16xf32> to vector<16xf32>
      %sub3A_199 = arith.subf %get3A_195, %get3A_198 : vector<16xf32>
      %lt3A_200 = arith.constant 0.000000e+00 : f32
      %lt3A_201 = vector.broadcast %lt3A_200 : f32 to vector<16xf32>
      %lt3A_202 = arith.cmpf olt, %sub3A_199, %lt3A_201 : vector<16xf32>
      %add3A_203 = arith.addf %get3A_195, %get3A_198 : vector<16xf32>
      %ge3A_204 = arith.constant 0.000000e+00 : f32
      %ge3A_205 = vector.broadcast %ge3A_204 : f32 to vector<16xf32>
      %ge3A_206 = arith.cmpf oge, %add3A_203, %ge3A_205 : vector<16xf32>
      %and3A_207 = arith.andi %lt3A_202, %ge3A_206 : vector<16xi1>
      %mul3A_208 = arith.constant 7.500000e-01 : f32
      %mul3A_209 = vector.broadcast %mul3A_208 : f32 to vector<16xf32>
      %mul3A_210 = arith.mulf %mul3A_209, %get3A_195 : vector<16xf32>
      %select_n3A_211 = arith.select %and3A_207, %mul3A_210, %get3A_195 : vector<16xi1>, vector<16xf32>
      %swap3A_212 = arith.index_cast %mul3A_192 : i32 to index
      %swap3A_213 = tpu.vector_load %arg8[%swap3A_212] {strides = array<i32>} : memref<4096xf32, #tpu.memory_space<vmem>>, vector<16xf32>,
      %swap3A_214 = vector.shape_cast %swap3A_213 : vector<16xf32> to vector<16xf32>
      %swap3A_215 = vector.shape_cast %select_n3A_211 : vector<16xf32> to vector<16xf32>
      tpu.vector_store %arg8[%swap3A_212], %swap3A_215 {strides = array<i32>} : memref<4096xf32, #tpu.memory_space<vmem>>, vector<16xf32>,
      %mul3A_216 = arith.constant 1.250000e+00 : f32
      %mul3A_217 = vector.broadcast %mul3A_216 : f32 to vector<16xf32>
      %mul3A_218 = arith.mulf %mul3A_217, %get3A_198 : vector<16xf32>
      %select_n3A_219 = arith.select %and3A_207, %mul3A_218, %get3A_198 : vector<16xi1>, vector<16xf32>
      %swap3A_220 = arith.index_cast %mul3A_192 : i32 to index
      %swap3A_221 = tpu.vector_load %arg9[%swap3A_220] {strides = array<i32>} : memref<4096xf32, #tpu.memory_space<vmem>>, vector<16xf32>,
      %swap3A_222 = vector.shape_cast %swap3A_221 : vector<16xf32> to vector<16xf32>
      %swap3A_223 = vector.shape_cast %select_n3A_219 : vector<16xf32> to vector<16xf32>
      tpu.vector_store %arg9[%swap3A_220], %swap3A_223 {strides = array<i32>} : memref<4096xf32, #tpu.memory_space<vmem>>, vector<16xf32>,
      %mul3A_224 = arith.constant 8 : i32
      %mul3A_225 = arith.muli %scan3A_8, %mul3A_224 : i32
      %add3A_226 = arith.constant 6 : i32
      %add3A_227 = arith.addi %mul3A_225, %add3A_226 : i32
      %mul3A_228 = arith.constant 16 : i32
      %mul3A_229 = arith.muli %add3A_227, %mul3A_228 : i32
      %get3A_230 = arith.index_cast %mul3A_229 : i32 to index
      %get3A_231 = tpu.vector_load %arg6[%get3A_230] {strides = array<i32>} : memref<4096xf32, #tpu.memory_space<vmem>>, vector<16xf32>,
      %get3A_232 = vector.shape_cast %get3A_231 : vector<16xf32> to vector<16xf32>
      %get3A_233 = arith.index_cast %mul3A_229 : i32 to index
      %get3A_234 = tpu.vector_load %arg7[%get3A_233] {strides = array<i32>} : memref<4096xf32, #tpu.memory_space<vmem>>, vector<16xf32>,
      %get3A_235 = vector.shape_cast %get3A_234 : vector<16xf32> to vector<16xf32>
      %sub3A_236 = arith.subf %get3A_232, %get3A_235 : vector<16xf32>
      %lt3A_237 = arith.constant 0.000000e+00 : f32
      %lt3A_238 = vector.broadcast %lt3A_237 : f32 to vector<16xf32>
      %lt3A_239 = arith.cmpf olt, %sub3A_236, %lt3A_238 : vector<16xf32>
      %add3A_240 = arith.addf %get3A_232, %get3A_235 : vector<16xf32>
      %ge3A_241 = arith.constant 0.000000e+00 : f32
      %ge3A_242 = vector.broadcast %ge3A_241 : f32 to vector<16xf32>
      %ge3A_243 = arith.cmpf oge, %add3A_240, %ge3A_242 : vector<16xf32>
      %and3A_244 = arith.andi %lt3A_239, %ge3A_243 : vector<16xi1>
      %mul3A_245 = arith.constant 7.500000e-01 : f32
      %mul3A_246 = vector.broadcast %mul3A_245 : f32 to vector<16xf32>
      %mul3A_247 = arith.mulf %mul3A_246, %get3A_232 : vector<16xf32>
      %select_n3A_248 = arith.select %and3A_244, %mul3A_247, %get3A_232 : vector<16xi1>, vector<16xf32>
      %swap3A_249 = arith.index_cast %mul3A_229 : i32 to index
      %swap3A_250 = tpu.vector_load %arg8[%swap3A_249] {strides = array<i32>} : memref<4096xf32, #tpu.memory_space<vmem>>, vector<16xf32>,
      %swap3A_251 = vector.shape_cast %swap3A_250 : vector<16xf32> to vector<16xf32>
      %swap3A_252 = vector.shape_cast %select_n3A_248 : vector<16xf32> to vector<16xf32>
      tpu.vector_store %arg8[%swap3A_249], %swap3A_252 {strides = array<i32>} : memref<4096xf32, #tpu.memory_space<vmem>>, vector<16xf32>,
      %mul3A_253 = arith.constant 1.250000e+00 : f32
      %mul3A_254 = vector.broadcast %mul3A_253 : f32 to vector<16xf32>
      %mul3A_255 = arith.mulf %mul3A_254, %get3A_235 : vector<16xf32>
      %select_n3A_256 = arith.select %and3A_244, %mul3A_255, %get3A_235 : vector<16xi1>, vector<16xf32>
      %swap3A_257 = arith.index_cast %mul3A_229 : i32 to index
      %swap3A_258 = tpu.vector_load %arg9[%swap3A_257] {strides = array<i32>} : memref<4096xf32, #tpu.memory_space<vmem>>, vector<16xf32>,
      %swap3A_259 = vector.shape_cast %swap3A_258 : vector<16xf32> to vector<16xf32>
      %swap3A_260 = vector.shape_cast %select_n3A_256 : vector<16xf32> to vector<16xf32>
      tpu.vector_store %arg9[%swap3A_257], %swap3A_260 {strides = array<i32>} : memref<4096xf32, #tpu.memory_space<vmem>>, vector<16xf32>,
      %mul3A_261 = arith.constant 8 : i32
      %mul3A_262 = arith.muli %scan3A_8, %mul3A_261 : i32
      %add3A_263 = arith.constant 7 : i32
      %add3A_264 = arith.addi %mul3A_262, %add3A_263 : i32
      %mul3A_265 = arith.constant 16 : i32
      %mul3A_266 = arith.muli %add3A_264, %mul3A_265 : i32
      %get3A_267 = arith.index_cast %mul3A_266 : i32 to index
      %get3A_268 = tpu.vector_load %arg6[%get3A_267] {strides = array<i32>} : memref<4096xf32, #tpu.memory_space<vmem>>, vector<16xf32>,
      %get3A_269 = vector.shape_cast %get3A_268 : vector<16xf32> to vector<16xf32>
      %get3A_270 = arith.index_cast %mul3A_266 : i32 to index
      %get3A_271 = tpu.vector_load %arg7[%get3A_270] {strides = array<i32>} : memref<4096xf32, #tpu.memory_space<vmem>>, vector<16xf32>,
      %get3A_272 = vector.shape_cast %get3A_271 : vector<16xf32> to vector<16xf32>
      %sub3A_273 = arith.subf %get3A_269, %get3A_272 : vector<16xf32>
      %lt3A_274 = arith.constant 0.000000e+00 : f32
      %lt3A_275 = vector.broadcast %lt3A_274 : f32 to vector<16xf32>
      %lt3A_276 = arith.cmpf olt, %sub3A_273, %lt3A_275 : vector<16xf32>
      %add3A_277 = arith.addf %get3A_269, %get3A_272 : vector<16xf32>
      %ge3A_278 = arith.constant 0.000000e+00 : f32
      %ge3A_279 = vector.broadcast %ge3A_278 : f32 to vector<16xf32>
      %ge3A_280 = arith.cmpf oge, %add3A_277, %ge3A_279 : vector<16xf32>
      %and3A_281 = arith.andi %lt3A_276, %ge3A_280 : vector<16xi1>
      %mul3A_282 = arith.constant 7.500000e-01 : f32
      %mul3A_283 = vector.broadcast %mul3A_282 : f32 to vector<16xf32>
      %mul3A_284 = arith.mulf %mul3A_283, %get3A_269 : vector<16xf32>
      %select_n3A_285 = arith.select %and3A_281, %mul3A_284, %get3A_269 : vector<16xi1>, vector<16xf32>
      %swap3A_286 = arith.index_cast %mul3A_266 : i32 to index
      %swap3A_287 = tpu.vector_load %arg8[%swap3A_286] {strides = array<i32>} : memref<4096xf32, #tpu.memory_space<vmem>>, vector<16xf32>,
      %swap3A_288 = vector.shape_cast %swap3A_287 : vector<16xf32> to vector<16xf32>
      %swap3A_289 = vector.shape_cast %select_n3A_285 : vector<16xf32> to vector<16xf32>
      tpu.vector_store %arg8[%swap3A_286], %swap3A_289 {strides = array<i32>} : memref<4096xf32, #tpu.memory_space<vmem>>, vector<16xf32>,
      %mul3A_290 = arith.constant 1.250000e+00 : f32
      %mul3A_291 = vector.broadcast %mul3A_290 : f32 to vector<16xf32>
      %mul3A_292 = arith.mulf %mul3A_291, %get3A_272 : vector<16xf32>
      %select_n3A_293 = arith.select %and3A_281, %mul3A_292, %get3A_272 : vector<16xi1>, vector<16xf32>
      %swap3A_294 = arith.index_cast %mul3A_266 : i32 to index
      %swap3A_295 = tpu.vector_load %arg9[%swap3A_294] {strides = array<i32>} : memref<4096xf32, #tpu.memory_space<vmem>>, vector<16xf32>,
      %swap3A_296 = vector.shape_cast %swap3A_295 : vector<16xf32> to vector<16xf32>
      %swap3A_297 = vector.shape_cast %select_n3A_293 : vector<16xf32> to vector<16xf32>
      tpu.vector_store %arg9[%swap3A_294], %swap3A_297 {strides = array<i32>} : memref<4096xf32, #tpu.memory_space<vmem>>, vector<16xf32>,
    }
    %scan3A_7 = arith.constant 32 : i32
    "tpu.region"() ({
      %run_scoped3A_8 = tpu.sem_alloc : memref<!tpu.dma_semaphore, #tpu.memory_space<semaphore_mem>>
      %dma_start3A = tpu.memref_slice %arg4[%mul3A_2] : memref<131072xf32, #tpu.memory_space<hbm>> -> memref<4096xf32, #tpu.memory_space<hbm>>
      %dma_start3A_9 = tpu.memref_slice %arg4[%mul3A_2] : memref<131072xf32, #tpu.memory_space<hbm>> -> memref<4096xf32, #tpu.memory_space<hbm>>
      tpu.enqueue_dma source(%arg8 : memref<4096xf32, #tpu.memory_space<vmem>>) target(%dma_start3A_9 : memref<4096xf32, #tpu.memory_space<hbm>>) target_semaphore(%run_scoped3A_8 : memref<!tpu.dma_semaphore, #tpu.memory_space<semaphore_mem>>)
      %dma_wait3A = tpu.memref_slice %arg4[%mul3A_2] : memref<131072xf32, #tpu.memory_space<hbm>> -> memref<4096xf32, #tpu.memory_space<hbm>>
      %dma_wait3A_10 = tpu.memref_slice %arg4[%mul3A_2] : memref<131072xf32, #tpu.memory_space<hbm>> -> memref<4096xf32, #tpu.memory_space<hbm>>
      tpu.wait_dma2 semaphore(%run_scoped3A_8 : memref<!tpu.dma_semaphore, #tpu.memory_space<semaphore_mem>>) src(%arg8 : memref<4096xf32, #tpu.memory_space<vmem>>) dst(%dma_wait3A_10 : memref<4096xf32, #tpu.memory_space<hbm>>)
      tpu.yield
    }) : () -> ()
    "tpu.region"() ({
      %run_scoped3A_8 = tpu.sem_alloc : memref<!tpu.dma_semaphore, #tpu.memory_space<semaphore_mem>>
      %dma_start3A = tpu.memref_slice %arg5[%mul3A_2] : memref<131072xf32, #tpu.memory_space<hbm>> -> memref<4096xf32, #tpu.memory_space<hbm>>
      %dma_start3A_9 = tpu.memref_slice %arg5[%mul3A_2] : memref<131072xf32, #tpu.memory_space<hbm>> -> memref<4096xf32, #tpu.memory_space<hbm>>
      tpu.enqueue_dma source(%arg9 : memref<4096xf32, #tpu.memory_space<vmem>>) target(%dma_start3A_9 : memref<4096xf32, #tpu.memory_space<hbm>>) target_semaphore(%run_scoped3A_8 : memref<!tpu.dma_semaphore, #tpu.memory_space<semaphore_mem>>)
      %dma_wait3A = tpu.memref_slice %arg5[%mul3A_2] : memref<131072xf32, #tpu.memory_space<hbm>> -> memref<4096xf32, #tpu.memory_space<hbm>>
      %dma_wait3A_10 = tpu.memref_slice %arg5[%mul3A_2] : memref<131072xf32, #tpu.memory_space<hbm>> -> memref<4096xf32, #tpu.memory_space<hbm>>
      tpu.wait_dma2 semaphore(%run_scoped3A_8 : memref<!tpu.dma_semaphore, #tpu.memory_space<semaphore_mem>>) src(%arg9 : memref<4096xf32, #tpu.memory_space<vmem>>) dst(%dma_wait3A_10 : memref<4096xf32, #tpu.memory_space<hbm>>)
      tpu.yield
    }) : () -> ()
    return
  }
}

module attributes {stable_mosaic.version = 14 : i64} {
  func.func @_tc_body(%arg0: i32, %arg1: memref<64x16384xf32, #tpu.memory_space<vmem>>, %arg2: memref<64x16384xf32, #tpu.memory_space<vmem>>, %arg3: memref<16384xf32, #tpu.memory_space<vmem>>, %arg4: memref<16384xf32, #tpu.memory_space<vmem>>, %arg5: memref<2x64x16384xf32, #tpu.memory_space<vmem>>) attributes {dimension_semantics = [#tpu.dimension_semantics<arbitrary>], iteration_bounds = array<i64: 8>, scalar_prefetch = 0 : i64, scratch_operands = 0 : i64, tpu.core_type = #tpu.core_type<tc>, window_params = [{transform_indices = @transform_0, window_bounds = array<i64: 64, 16384>}, {transform_indices = @transform_1, window_bounds = array<i64: 64, 16384>}, {transform_indices = @transform_2, window_bounds = array<i64: 16384>}, {transform_indices = @transform_3, window_bounds = array<i64: 16384>}, {transform_indices = @transform_4, window_bounds = array<i64: 2, 64, 16384>}]} {
    %get3A = arith.constant 0 : index
    %get3A_0 = arith.constant 0 : index
    %get3A_1 = vector.load %arg1[%get3A, %get3A_0] : memref<64x16384xf32, #tpu.memory_space<vmem>>, vector<64x16384xf32>
    %get3A_2 = arith.constant 0 : index
    %get3A_3 = arith.constant 0 : index
    %get3A_4 = vector.load %arg2[%get3A_2, %get3A_3] : memref<64x16384xf32, #tpu.memory_space<vmem>>, vector<64x16384xf32>
    %iota3A = tpu.iota {dimensions = array<i32: 0>} : vector<64x1xi32>
    %eq3A = arith.constant 0 : i32
    %eq3A_5 = vector.broadcast %eq3A : i32 to vector<64x1xi32>
    %eq3A_6 = arith.cmpi eq, %iota3A, %eq3A_5 : vector<64x1xi32>
    %get3A_7 = arith.constant 0 : index
    %get3A_8 = vector.load %arg3[%get3A_7] : memref<16384xf32, #tpu.memory_space<vmem>>, vector<16384xf32>
    %reshape3A = vector.shape_cast %get3A_8 : vector<16384xf32> to vector<1x16384xf32>
    %broadcast_in_dim3A = vector.shape_cast %eq3A_6 : vector<64x1xi1> to vector<64x1xi1>
    %broadcast_in_dim3A_9 = vector.broadcast %broadcast_in_dim3A : vector<64x1xi1> to vector<64x16384xi1>
    %broadcast_in_dim3A_10 = vector.shape_cast %reshape3A : vector<1x16384xf32> to vector<1x16384xf32>
    %broadcast_in_dim3A_11 = vector.broadcast %broadcast_in_dim3A_10 : vector<1x16384xf32> to vector<64x16384xf32>
    %select_n3A = arith.select %broadcast_in_dim3A_9, %broadcast_in_dim3A_11, %get3A_1 : vector<64x16384xi1>, vector<64x16384xf32>
    %swap3A = arith.constant 0 : index
    %swap3A_12 = arith.constant 0 : index
    %swap3A_13 = arith.constant 0 : index
    %swap3A_14 = vector.load %arg5[%swap3A, %swap3A_12, %swap3A_13] : memref<2x64x16384xf32, #tpu.memory_space<vmem>>, vector<1x64x16384xf32>
    %swap3A_15 = vector.shape_cast %swap3A_14 : vector<1x64x16384xf32> to vector<64x16384xf32>
    %swap3A_16 = vector.shape_cast %select_n3A : vector<64x16384xf32> to vector<1x64x16384xf32>
    tpu.vector_store %arg5[%swap3A, %swap3A_12, %swap3A_13], %swap3A_16 {strides = array<i32>} : memref<2x64x16384xf32, #tpu.memory_space<vmem>>, vector<1x64x16384xf32>,
    %get3A_17 = arith.constant 0 : index
    %get3A_18 = vector.load %arg4[%get3A_17] : memref<16384xf32, #tpu.memory_space<vmem>>, vector<16384xf32>
    %reshape3A_19 = vector.shape_cast %get3A_18 : vector<16384xf32> to vector<1x16384xf32>
    %broadcast_in_dim3A_20 = vector.shape_cast %eq3A_6 : vector<64x1xi1> to vector<64x1xi1>
    %broadcast_in_dim3A_21 = vector.broadcast %broadcast_in_dim3A_20 : vector<64x1xi1> to vector<64x16384xi1>
    %broadcast_in_dim3A_22 = vector.shape_cast %reshape3A_19 : vector<1x16384xf32> to vector<1x16384xf32>
    %broadcast_in_dim3A_23 = vector.broadcast %broadcast_in_dim3A_22 : vector<1x16384xf32> to vector<64x16384xf32>
    %select_n3A_24 = arith.select %broadcast_in_dim3A_21, %broadcast_in_dim3A_23, %get3A_4 : vector<64x16384xi1>, vector<64x16384xf32>
    %swap3A_25 = arith.constant 1 : index
    %swap3A_26 = arith.constant 0 : index
    %swap3A_27 = arith.constant 0 : index
    %swap3A_28 = vector.load %arg5[%swap3A_25, %swap3A_26, %swap3A_27] : memref<2x64x16384xf32, #tpu.memory_space<vmem>>, vector<1x64x16384xf32>
    %swap3A_29 = vector.shape_cast %swap3A_28 : vector<1x64x16384xf32> to vector<64x16384xf32>
    %swap3A_30 = vector.shape_cast %select_n3A_24 : vector<64x16384xf32> to vector<1x64x16384xf32>
    tpu.vector_store %arg5[%swap3A_25, %swap3A_26, %swap3A_27], %swap3A_30 {strides = array<i32>} : memref<2x64x16384xf32, #tpu.memory_space<vmem>>, vector<1x64x16384xf32>,
    return
  }
  func.func @transform_0(%arg0: i32) -> (i32, i32) {
    %c0_i32 = arith.constant 0 : i32
    %c0_i32_0 = arith.constant 0 : i32
    return %c0_i32, %arg0 : i32, i32
  }
  func.func @transform_1(%arg0: i32) -> (i32, i32) {
    %c0_i32 = arith.constant 0 : i32
    %c0_i32_0 = arith.constant 0 : i32
    return %c0_i32, %arg0 : i32, i32
  }
  func.func @transform_2(%arg0: i32) -> i32 {
    %c0_i32 = arith.constant 0 : i32
    return %arg0 : i32
  }
  func.func @transform_3(%arg0: i32) -> i32 {
    %c0_i32 = arith.constant 0 : i32
    return %arg0 : i32
  }
  func.func @transform_4(%arg0: i32) -> (i32, i32, i32) {
    %c0_i32 = arith.constant 0 : i32
    %c0_i32_0 = arith.constant 0 : i32
    %c0_i32_1 = arith.constant 0 : i32
    return %c0_i32, %c0_i32_0, %arg0 : i32, i32, i32
  }
}

</mosaic_0001>

<sc_bundles>
// kernel: kernel.4.cloned.1.call-start
scs
__scs_entry_jumppad:
0x0: {  	(pc) =	sbr.rel $0x88, $3  }
0x1: {  	(tag) =	ssettag $0x0;
	lr =	simm.s32 $0x1  }
0x2: {  	[smem:$0x3F9F] =	sst lr;
	_ =	strace $0xD0000000  }
0x3: {  	_ = 	snop  }
0x4: {  	_ = 	snop  }
0x5: {  	_ = 	snop  }
0x6: {  	_ = 	snop  }
0x7: {  	_ = 	snop  }
__scs_overlays_trampoline_lowered:
0x8: {  	[smem:$0x3FAE] =	sst s0  }
0x9: {  	[smem:$0x3FAF] =	sst s1  }
0xa: {  	[smem:$0x3FB0] =	sst s2  }
0xb: {  	[smem:$0x3FB1] =	sst s3  }
0xc: {  	[smem:$0x3FB2] =	sst s4  }
0xd: {  	[smem:$0x3FB3] =	sst s5  }
0xe: {  	[smem:$0x3FB4] =	sst s6  }
0xf: {  	[smem:$0x3FB5] =	sst s7  }
0x10: {  	[smem:$0x3FB6] =	sst s8  }
0x11: {  	[smem:$0x3FB7] =	sst s9;
	s0 =	simm.s32 @!p0 $0x0  }
0x12: {  	s1 =	sld [smem:$0x3F9D];
	s0 =	simm.s32 @p0 $0x1  }
0x13: {  	[smem:$0x3FB8] =	sst s0;
	s0 =	simm.s32 @!p1 $0x0  }
0x14: {  	s2 =	sld [smem:$0x3F9C];
	s0 =	simm.s32 @p1 $0x1  }
0x15: {  	[smem:$0x3FB9] =	sst s0;
	s0 =	simm.s32 @!p2 $0x0  }
0x16: {  	s3 =	sld [smem:$0x3FDB];
	s0 =	simm.s32 @p2 $0x1  }
0x17: {  	s4 =	simm.s32 $0x1BF5;
	[smem:$0x3FBB] =	sst s0  }
0x18: {  	s0 =	sld [smem:$0x3F9E];
	_ =	swait.ge [sflag:s4], $0x0  }
0x19: {  	s7 =	sld [smem:$0x3F9F]  }
0x1a: {  	s8 =	sadd.s32 $0xFFFFE003, lr  }
0x1b: {  	s9 =	sadd.s32 $0xFFFFFEF7, lr;
	s5 =	simm.s32 $0xFFFFFFFF;
	p2 =	slt.u32 s8, $0xFFFFF086  }
0x1c: {  	p1 =	slt.u32 s9, $0xF7A;
	s5 =	simm.s32 @!p2 $0x0  }
0x1d: {  	s5 =	simm.s32 @p1 $0x1;
	p0 =	seq.s32 s7, s2  }
0x1e: {  	s7 =	smul.u32 @!p0 $0xF7A, s2;
	p2 =	seq.s32 @!p0 s5, $0x0  }
0x1f: {  	s9 =	smul.u32 $0xF7A, s1;
	s8 =	simm.s32 @!p0 $0x1BF5;
	p2 =	por !p2, p0  }
0x20: {  	[sflag:s8] =	ssyncset.s32 @!p0 $0xFFFFF086;
	s6 =	sadd.s32 @!p0 s3, s7;
	s7 =	simm.s32 @!p0 $0x108  }
0x21: {  	s3 =	sadd.s32 s3, s9;
	s6 =	sadd.s32 @!p0 $0x88, s6;
	s7 =	simm.s32 @p2 $0x1082  }
0x22: {  	[simem:s7], [sflag:s8] =	dma.local @!p0 [hbm:s6], $0xF7A  }
0x23: {  	s9 =	sor.u32 $0xD0000000, s2;
	s6 =	simm.s32 $0x108;
	_ =	swait.ge @!p0 [sflag:s8], $0x0  }
0x24: {  	s3 =	sadd.s32 $0x88, s3;
	s6 =	simm.s32 @!p1 $0x1082;
	[sflag:s4] =	ssyncset.s32 $0xFFFFF086  }
0x25: {  	[simem:s6], [sflag:s4] =	dma.local [hbm:s3], $0xF7A  }
0x26: {  	[smem:$0x3F9F] =	sst s1;
	(tag) =	ssettag s2;
	_ =	strace s9  }
0x27: {  	s1 =	sld [smem:$0x3FAF]  }
0x28: {  	s2 =	sld [smem:$0x3FB0]  }
0x29: {  	s4 =	sld [smem:$0x3FB2]  }
0x2a: {  	p0 =	seq.s32 s5, $0x0;
	s5 =	sld [smem:$0x3FB3]  }
0x2b: {  	s6 =	sld [smem:$0x3FB4]  }
0x2c: {  	s7 =	sld [smem:$0x3FB5]  }
0x2d: {  	s3 =	simm.s32 $0x108;
	s8 =	sld [smem:$0x3FB6]  }
0x2e: {  	s3 =	simm.s32 @!p0 $0x1082;
	s9 =	sld [smem:$0x3FB7]  }
0x2f: {  	lr =	sadd.s32 s0, s3;
	s0 =	sld [smem:$0x3FAE]  }
0x30: {  	s3 =	sld [smem:$0x3FB1]  }
0x31: {  	[smem:$0x3FBA] =	sst s10  }
0x32: {  	s10 =	sld [smem:$0x3FB8];
	_ =	sdelay $0x3  }
0x33: {  	p0 =	seq.s32 s10, $0x1;
	s10 =	sld [smem:$0x3FBA];
	_ =	sdelay $0x3  }
0x34: {  	[smem:$0x3FBA] =	sst s10  }
0x35: {  	s10 =	sld [smem:$0x3FB9];
	_ =	sdelay $0x3  }
0x36: {  	p1 =	seq.s32 s10, $0x1;
	s10 =	sld [smem:$0x3FBA];
	_ =	sdelay $0x3  }
0x37: {  	[smem:$0x3FBA] =	sst s10  }
0x38: {  	s10 =	sld [smem:$0x3FBB]  }
0x39: {  	_ = 	snop;
	(pc) =	sbr.ind lr, $3  }
0x3a: {  	_ = 	snop  }
0x3b: {  	_ = 	snop  }
0x3c: {  	p2 =	seq.s32 s10, $0x1;
	s10 =	sld [smem:$0x3FBA]  }
0x3d: {  	_ =	shalt  }
0x3e: {  	_ =	shalt  }
0x3f: {  	_ =	shalt  }
0x40: {  	_ =	shalt  }
0x41: {  	_ =	shalt  }
0x42: {  	_ =	shalt  }
0x43: {  	_ =	shalt  }
0x44: {  	_ =	shalt  }
0x45: {  	_ =	shalt  }
0x46: {  	_ =	shalt  }
0x47: {  	_ =	shalt  }
0x48: {  	_ =	shalt  }
0x49: {  	_ =	shalt  }
0x4a: {  	_ =	shalt  }
0x4b: {  	_ =	shalt  }
0x4c: {  	_ =	shalt  }
0x4d: {  	_ =	shalt  }
0x4e: {  	_ =	shalt  }
0x4f: {  	_ =	shalt  }
0x50: {  	_ =	shalt  }
0x51: {  	_ =	shalt  }
0x52: {  	_ =	shalt  }
0x53: {  	_ =	shalt  }
0x54: {  	_ =	shalt  }
0x55: {  	_ =	shalt  }
0x56: {  	_ =	shalt  }
0x57: {  	_ =	shalt  }
0x58: {  	_ =	shalt  }
0x59: {  	_ =	shalt  }
0x5a: {  	_ =	shalt  }
0x5b: {  	_ =	shalt  }
0x5c: {  	_ =	shalt  }
0x5d: {  	_ =	shalt  }
0x5e: {  	_ =	shalt  }
0x5f: {  	_ =	shalt  }
0x60: {  	_ =	shalt  }
0x61: {  	_ =	shalt  }
0x62: {  	_ =	shalt  }
0x63: {  	_ =	shalt  }
0x64: {  	_ =	shalt  }
0x65: {  	_ =	shalt  }
0x66: {  	_ =	shalt  }
0x67: {  	_ =	shalt  }
0x68: {  	_ =	shalt  }
0x69: {  	_ =	shalt  }
0x6a: {  	_ =	shalt  }
0x6b: {  	_ =	shalt  }
0x6c: {  	_ =	shalt  }
0x6d: {  	_ =	shalt  }
0x6e: {  	_ =	shalt  }
0x6f: {  	_ =	shalt  }
0x70: {  	_ =	shalt  }
0x71: {  	_ =	shalt  }
0x72: {  	_ =	shalt  }
0x73: {  	_ =	shalt  }
0x74: {  	_ =	shalt  }
0x75: {  	_ =	shalt  }
0x76: {  	_ =	shalt  }
0x77: {  	_ =	shalt  }
0x78: {  	_ =	shalt  }
0x79: {  	_ =	shalt  }
0x7a: {  	_ =	shalt  }
0x7b: {  	_ =	shalt  }
0x7c: {  	_ =	shalt  }
0x7d: {  	_ =	shalt  }
0x7e: {  	_ =	shalt  }
0x7f: {  	_ =	shalt  }
0x80: {  	_ =	shalt  }
0x81: {  	_ =	shalt  }
0x82: {  	_ =	shalt  }
0x83: {  	_ =	shalt  }
0x84: {  	_ =	shalt  }
0x85: {  	_ =	shalt  }
0x86: {  	_ =	shalt  }
0x87: {  	_ =	shalt  }
.Lfunc_end0:
.L_simem_size_0:
called_computation_lowered:
.L_overlay_start_0:
0x88: {  	s2 =	sld [smem:$0x3FD9]  }
0x89: {  	s3 =	sld [smem:$0x3FFE];
	_ =	sdelay $0x1  }
0x8a: {  	s1 =	srdreg.scid  }
0x8b: {  	s0 =	sand.u32 $0x1, s1  }
0x8c: {  	s17 =	sshll.u32 s0, $0xA;
	s2 =	sadd.s32 s3, s2  }
0x8d: {  	s2 =	sadd.s32 s2, s17  }
0x8e: {  	[smem:$0x3FC6] =	sst s2  }
0x8f: {  	_ = 	snop  }
0x90: {  	s2 =	sld [smem:$0x3FC9]  }
0x91: {  	s18 =	sld [smem:$0x3FC8]  }
0x92: {  	s4 =	sld [smem:$0x3FD0];
	(tm) =	ssettm $0x1  }
0x93: {  	s5 =	sld [smem:$0x3FFB];
	_ =	sdelay $0x3  }
0x94: {  	_ =	strace s5  }
0x95: {  	s5 =	sld [smem:$0x3FFC];
	_ =	sdelay $0x3  }
0x96: {  	_ =	strace s5  }
0x97: {  	s5 =	sld [smem:$0x3FFD];
	_ =	sdelay $0x3  }
0x98: {  	_ =	strace s5  }
0x99: {  	_ =	strace $0x8FFFFFFF  }
0x9a: {  	s19 =	sld [smem:$0x3FDB];
	_ =	sdelay $0x1  }
0x9b: {  	s6 =	simm.s32 $_scs_section_size  }
0x9c: {  	s7 =	simm.s32 $_size__tile_overlayer_lowered;
	s8 =	simm.s32 $_tile_overlayer_lowered  }
0x9d: {  	s22 =	simm.s32 $0x1BFF;
	s21 =	sshll.u32 s8, $0x1;
	s5 =	sadd.s32 s6, s19  }
0x9e: {  	s9 =	simm.s32 $0x0;
	s20 =	sshll.u32 s7, $0x1;
	s7 =	sadd.s32 s21, s5  }
0x9f: {  	[timem:s9], [sflag:s22] =	dma.local [hbm:s7], s20  }
0xa0: {  	_ =	swait.ge [sflag:s22], s20  }
0xa1: {  	s6 =	ssub.s32 $0x0, s20;
	[sflag:s22] =	ssyncset.done $0x0  }
0xa2: {  	[sflag:s22] =	ssyncadd.s32 s6;
	_ =	sdelay $0x1  }
0xa3: {  	s23 =	simm.s32 $0x1B8B  }
0xa4: {  	_ =	swait.ge [sflag:s23], $0x1  }
0xa5: {  	[sflag:s23] =	ssyncset.done $0x0  }
0xa6: {  	s25 =	simm.s32 $0x1B8E;
	s24 =	sld [smem:$0x3FFE];
	[sflag:s23] =	ssyncadd.s32 $0xFFFFFFFF  }
0xa7: {  	s26 =	simm.s32 $execute0_lowered;
	[smem:$0x3FD2] =	sst s25  }
0xa8: {  	s7 =	sshll.u32 s26, $0x1;
	_ =	strace $0x80000046;
	[dreg:$0x1] =	wrdreg $0xFFFFFFFF  }
0xa9: {  	s28 =	simm.s32 $_size_execute0_lowered;
	s5 =	sadd.s32 s5, s7;
	[dreg:$0x0] =	wrdreg $0x0  }
0xaa: {  	s7 =	sshll.u32 s28, $0x1;
	[dreg:$0x2] =	wrdreg s5  }
0xab: {  	[dreg:$0x3] =	wrdreg s7  }
0xac: {  	[dreg:$0x4] =	wrdreg $0xC0  }
0xad: {  	_ =	task [dreg:s9], $0x5FFFF  }
0xae: {  	[dreg:$0x1] =	wrdreg $0xFFFFFFFF  }
0xaf: {  	[dreg:$0x0] =	wrdreg $0x60  }
0xb0: {  	[dreg:$0x2] =	wrdreg s2  }
0xb1: {  	[dreg:$0x3] =	wrdreg s18  }
0xb2: {  	[dreg:$0x4] =	wrdreg s4  }
0xb3: {  	[dreg:$0x5] =	wrdreg s24  }
0xb4: {  	[dreg:$0x6] =	wrdreg $0x9  }
0xb5: {  	_ =	task.clear_ibuf [dreg:s9], $0x7FFFF;
	_ =	strace $0x90000046  }
0xb6: {  	s29 =	simm.s32 $0x9;
	_ =	strace $0x80000048  }
0xb7: {  	_ =	swait.ge [sflag:s29], $0x1  }
0xb8: {  	[sflag:s29] =	ssyncadd.s32 $0xFFFFFFFF  }
0xb9: {  	_ =	strace $0x90000048  }
0xba: {  	_ =	sfence  }
0xbb: {  	s30 =	sld [smem:$0x0];
	_ =	sdelay $0x2  }
0xbc: {  	s31 =	sshll.u32 s1, $0xD;
	s1 =	sshrl.u32 s1, $0x2  }
0xbd: {  	s3 =	sand.u32 $0x4000, s31;
	s1 =	sadd.s32 s1, s30  }
0xbe: {  	s0 =	sor.u32 s3, s0;
	s1 =	sshll.u32 s1, $0x11  }
0xbf: {  	s0 =	sor.u32 s1, s0  }
0xc0: {  	s0 =	sadd.s32 $0x8F2B, s0  }
0xc1: {  	[sflag:s0] =	ssyncadd.remote.s32 $0x1  }
0xc2: {  	_ =	sfence.sel $0xFFFF  }
0xc3: {  	[dreg:$0x0] =	wrdreg $0xFFFFFFFF;
	(pc) =	sbr.abs _section_cstart, $3  }
0xc4: {  	[dreg:$0x1] =	wrdreg $0xFFFFFFFF  }
0xc5: {  	_ =	task.clear_ibuf [dreg:s9], $0x2FFFF;
	_ =	strace $0x9FFFFFFF  }
0xc6: {  	(tm) =	ssettm $0x7FFFFFFF  }
0xc7: {  	_ =	shalt  }
tec
execute0_lowered:
.L_overlay_start_1:
0x0: {  	(tag) =	ssettag $0x1  }
0x1: {  	s3 =	rddreg [dreg:$0x0]  }
0x2: {  	s4 =	rddreg [dreg:$0x1]  }
0x3: {  	s5 =	rddreg [dreg:$0x2];
	s0 =	srdreg.scid  }
0x4: {  	s6 =	rddreg [dreg:$0x3];
	s1 =	stileid.u32;
	s2 =	simm.s32 $0x0  }
0x5: {  	s11 =	simm.s32 $0x1000;
	s12 =	simm.s32 $0x2000;
	s13 =	simm.s32 $0x3000  }
0x6: {  	s14 =	simm.s32 $0x0;
	s7 =	sand.u32 $0x1, s0;
	s0 =	rddreg [dreg:$0x4]  }
0x7: {  	s8 =	sshll.u32 s1, $0xD;
	s9 =	sshll.u32 s7, $0xC;
	s7 =	ssub.s32 $0x2, s7  }
0x8: {  	[smem:$0x7FF] =	sst s2;
	s8 =	sor.u32 s9, s8;
	s10 =	sshrl.u32 s7, $0x1  }
0x9: {  	_ =	strace $0x80000047;
	s9 =	sshrl.u32 s8, $0x3;
	s7 =	ssub.s32 s7, s10  }
0xa: {  	s3 =	sadd.s32 s3, s8;
	s4 =	sadd.s32 s4, s8;
	s8 =	simm.s32 $0x80  }
0xb: {  	s10 =	simm.s32 $0x1;
	s6 =	sadd.s32 s9, s6;
	s5 =	sadd.s32 s5, s9  }
0xc: {  	s7 =	smax.u32 s7, $0x1;
	s9 =	simm.s32 $0x400;
	s6 =	sadd.s32 $0xC00, s6  }
.LBB2_1:
0xd: {  	[tilespmem:s2], [sflag:$0x1] =	stream.strided.gather [hbm4b:s3+s8], $0x1000, s9, s8, $0x38;
	[tilespmem:$0x4000] =	vst v63  }
0xe: {  	_ =	swait.ge [sflag:s10], $0x1000  }
0xf: {  	[sflag:s10] =	ssyncset.done $0x0  }
0x10: {  	[sflag:s10] =	ssyncadd.s32 $0xFFFFF000  }
0x11: {  	[tilespmem:s11], [sflag:$0x1] =	stream.strided.gather [hbm4b:s4+s8], $0x1000, s9, s8, $0x38;
	[tilespmem:$0x4000] =	vst v63  }
0x12: {  	_ =	swait.ge [sflag:s10], $0x1000  }
0x13: {  	[sflag:s10] =	ssyncset.done $0x0  }
0x14: {  	s15 =	simm.s32 $0x0;
	[sflag:s10] =	ssyncadd.s32 $0xFFFFF000  }
0x15: {  	v0 =	vld [tilespmem:s15+$0x70]  }
0x16: {  	v8 =	vld [tilespmem:s15+$0x1070]  }
0x17: {  	v2 =	vld [tilespmem:s15+$0x0]  }
0x18: {  	v4 =	vld [tilespmem:s15+$0x1000]  }
0x19: {  	v3 =	vld [tilespmem:s15+$0x10]  }
0x1a: {  	v5 =	vld [tilespmem:s15+$0x1010]  }
0x1b: {  	v6 =	vld [tilespmem:s15+$0x20]  }
0x1c: {  	v7 =	vld [tilespmem:s15+$0x1020]  }
0x1d: {  	v9 =	vld [tilespmem:s15+$0x30]  }
0x1e: {  	v12 =	vld [tilespmem:s15+$0x40];
	v10 =	vadd.f32 v8, v0;
	v1 =	vmul.f32 $7.500000000e-01, v0;
	v14 =	vmul.f32 $7.500000000e-01, v2  }
0x1f: {  	v16 =	vld [tilespmem:s15+$0x60];
	vm0 =	vlt.f32 v0, v8;
	v11 =	vmul.f32 $1.250000000e+00, v8;
	vm2 =	vlt.f32 v2, v4  }
0x20: {  	v17 =	vld [tilespmem:s15+$0x1060];
	v13 =	vadd.f32 v4, v2;
	v18 =	vmul.f32 $1.250000000e+00, v4;
	v15 =	vadd.f32 v5, v3  }
0x21: {  	vm3 =	vlt.f32 v3, v5;
	v19 =	vmul.f32 $7.500000000e-01, v3;
	vm1 =	vge.f32 v10, $0.0e+00;
	v10 =	vld [tilespmem:s15+$0x1030]  }
0x22: {  	v20 =	vmul.f32 $1.250000000e+00, v5;
	vm5 =	vlt.f32 v6, v7;
	vm0 =	vmand vm0, vm1  }
0x23: {  	v22 =	vmul.f32 $7.500000000e-01, v6;
	v21 =	vmul.f32 $1.250000000e+00, v7;
	v8 =	vsel vm0, v11, v8;
	v11 =	vld [tilespmem:s15+$0x1040]  }
0x24: {  	v25 =	vmul.f32 $7.500000000e-01, v9;
	vm4 =	vge.f32 v15, $0.0e+00;
	v15 =	vld [tilespmem:s15+$0x1050];
	[tilespmem:s15+$0x3070] =	vst v8;
	v8 =	vadd.f32 v7, v6  }
0x25: {  	v27 =	vmul.f32 $7.500000000e-01, v12;
	v31 =	vadd.f32 v17, v16;
	vm1 =	vge.f32 v13, $0.0e+00;
	v13 =	vld [tilespmem:s15+$0x50]  }
0x26: {  	v30 =	vmul.f32 $7.500000000e-01, v16;
	vm6 =	vge.f32 v8, $0.0e+00;
	v8 =	vadd.f32 v10, v9  }
0x27: {  	v29 =	vmul.f32 $1.250000000e+00, v17;
	vm3 =	vmand vm3, vm4;
	vm4 =	vlt.f32 v16, v17  }
0x28: {  	vm1 =	vmand vm2, vm1;
	vm2 =	vge.f32 v8, $0.0e+00;
	v8 =	vadd.f32 v11, v12  }
0x29: {  	vm7 =	vlt.f32 v9, v10;
	v24 =	vmul.f32 $1.250000000e+00, v10;
	v26 =	vmul.f32 $1.250000000e+00, v15  }
0x2a: {  	vm10 =	vlt.f32 v13, v15;
	vm9 =	vge.f32 v8, $0.0e+00;
	v8 =	vadd.f32 v15, v13  }
0x2b: {  	vm5 =	vmand vm5, vm6;
	v28 =	vmul.f32 $7.500000000e-01, v13;
	vm8 =	vlt.f32 v12, v11  }
0x2c: {  	s16 =	simm.s32 $0x80;
	v23 =	vmul.f32 $1.250000000e+00, v11;
	vm7 =	vmand vm7, vm2;
	vm11 =	vge.f32 v8, $0.0e+00  }
0x2d: {  	s17 =	simm.s32 $0x400;
	vm6 =	vmand vm8, vm9;
	vm8 =	vge.f32 v31, $0.0e+00;
	v8 =	vld [tilespmem:s16+$0x70];
	vm2 =	vmand vm10, vm11  }
.LBB2_2:
0x2e: {  	p0 =	sne.s32 s17, $0x3E00;
	v31 =	vld [tilespmem:s16+$0x1070];
	v14 =	vsel vm1, v14, v2;
	v18 =	vsel vm1, v18, v4;
	vm1 =	vmand vm4, vm8  }
0x2f: {  	v2 =	vld [tilespmem:s16+$0x0];
	[tilespmem:s15+$0x2000] =	vst v14;
	v14 =	vsel vm3, v19, v3;
	v19 =	vsel vm3, v20, v5;
	v20 =	vsel vm5, v22, v6  }
0x30: {  	v22 =	vsel vm7, v24, v10;
	v4 =	vld [tilespmem:s16+$0x1000];
	[tilespmem:s15+$0x3000] =	vst v18;
	v18 =	vsel vm5, v21, v7;
	v21 =	vsel vm7, v25, v9  }
0x31: {  	v23 =	vsel vm6, v23, v11;
	v24 =	vsel vm6, v27, v12;
	v25 =	vsel vm2, v28, v13;
	v3 =	vld [tilespmem:s16+$0x10];
	[tilespmem:s15+$0x2010] =	vst v14  }
0x32: {  	v26 =	vsel vm2, v26, v15;
	v27 =	vsel vm1, v30, v16;
	v5 =	vld [tilespmem:s16+$0x1010];
	v9 =	vmul.f32 $7.500000000e-01, v8;
	[tilespmem:s15+$0x3010] =	vst v19  }
0x33: {  	v28 =	vsel vm1, v29, v17;
	v29 =	vsel vm0, v1, v0;
	v6 =	vld [tilespmem:s16+$0x20];
	v10 =	vadd.f32 v31, v8;
	[tilespmem:s15+$0x2020] =	vst v20  }
0x34: {  	v0 =	vmov v8;
	v14 =	vmul.f32 $7.500000000e-01, v2;
	v7 =	vld [tilespmem:s16+$0x1020];
	[tilespmem:s15+$0x3020] =	vst v18;
	v1 =	vmov v9  }
0x35: {  	vm0 =	vlt.f32 v0, v31;
	v8 =	vmul.f32 $1.250000000e+00, v31;
	v9 =	vld [tilespmem:s16+$0x30];
	vm2 =	vge.f32 v10, $0.0e+00;
	[tilespmem:s15+$0x2030] =	vst v21  }
0x36: {  	vm1 =	vlt.f32 v2, v4;
	v11 =	vadd.f32 v4, v2;
	v10 =	vld [tilespmem:s16+$0x1030];
	vm0 =	vmand vm0, vm2;
	[tilespmem:s15+$0x3030] =	vst v22  }
0x37: {  	v18 =	vmul.f32 $1.250000000e+00, v4;
	v13 =	vadd.f32 v5, v3;
	v12 =	vld [tilespmem:s16+$0x40];
	v8 =	vsel vm0, v8, v31;
	[tilespmem:s15+$0x2040] =	vst v24  }
0x38: {  	v19 =	vmul.f32 $7.500000000e-01, v3;
	vm5 =	vge.f32 v11, $0.0e+00;
	vm3 =	vlt.f32 v3, v5;
	v11 =	vld [tilespmem:s16+$0x1040];
	[tilespmem:s16+$0x3070] =	vst v8  }
0x39: {  	v20 =	vmul.f32 $1.250000000e+00, v5;
	vm6 =	vge.f32 v13, $0.0e+00;
	v8 =	vadd.f32 v7, v6;
	v13 =	vld [tilespmem:s16+$0x50];
	[tilespmem:s15+$0x3040] =	vst v23  }
0x3a: {  	v22 =	vmul.f32 $7.500000000e-01, v6;
	vm4 =	vlt.f32 v6, v7;
	v21 =	vmul.f32 $1.250000000e+00, v7;
	v15 =	vld [tilespmem:s16+$0x1050];
	[tilespmem:s15+$0x2050] =	vst v25  }
0x3b: {  	vm7 =	vge.f32 v8, $0.0e+00;
	vm2 =	vlt.f32 v9, v10;
	v8 =	vadd.f32 v10, v9;
	v16 =	vld [tilespmem:s16+$0x60];
	[tilespmem:s15+$0x3050] =	vst v26  }
0x3c: {  	vm1 =	vmand vm1, vm5;
	v25 =	vmul.f32 $7.500000000e-01, v9;
	v24 =	vmul.f32 $1.250000000e+00, v10;
	v17 =	vld [tilespmem:s16+$0x1060];
	[tilespmem:s15+$0x2060] =	vst v27  }
0x3d: {  	vm8 =	vge.f32 v8, $0.0e+00;
	vm9 =	vlt.f32 v12, v11;
	v8 =	vadd.f32 v11, v12;
	[tilespmem:s15+$0x3060] =	vst v28  }
0x3e: {  	vm3 =	vmand vm3, vm6;
	v27 =	vmul.f32 $7.500000000e-01, v12;
	v23 =	vmul.f32 $1.250000000e+00, v11;
	[tilespmem:s15+$0x2070] =	vst v29;
	s15 =	smov.u32 s16  }
.Ltmp0:
0x3f: {  	vm6 =	vge.f32 v8, $0.0e+00;
	vm10 =	vlt.f32 v13, v15;
	v8 =	vadd.f32 v15, v13;
	(pc) =	sbr.rel @p0 .LBB2_2-.Ltmp0, $4  }
0x40: {  	vm5 =	vmand vm4, vm7;
	v28 =	vmul.f32 $7.500000000e-01, v13;
	v26 =	vmul.f32 $1.250000000e+00, v15  }
0x41: {  	vm11 =	vge.f32 v8, $0.0e+00;
	vm4 =	vlt.f32 v16, v17;
	v31 =	vadd.f32 v17, v16  }
0x42: {  	s16 =	sshra.s32 s17, $0x2;
	vm7 =	vmand vm2, vm8;
	v30 =	vmul.f32 $7.500000000e-01, v16;
	v29 =	vmul.f32 $1.250000000e+00, v17  }
0x43: {  	s17 =	sadd.s32 $0x200, s17;
	vm6 =	vmand vm9, vm6;
	vm2 =	vmand vm10, vm11;
	v8 =	vld [tilespmem:s16+$0x70];
	vm8 =	vge.f32 v31, $0.0e+00  }
0x44: {  	v31 =	vld [tilespmem:s16+$0x1070];
	v2 =	vsel vm1, v14, v2  }
0x45: {  	v14 =	vld [tilespmem:s16+$0x0];
	v45 =	vsel vm1, v18, v4;
	[tilespmem:s15+$0x2000] =	vst v2  }
0x46: {  	v47 =	vsel vm3, v19, v3;
	v46 =	vld [tilespmem:s16+$0x1000];
	[tilespmem:s15+$0x3000] =	vst v45  }
0x47: {  	v49 =	vsel vm3, v20, v5;
	v48 =	vld [tilespmem:s16+$0x10];
	[tilespmem:s15+$0x2010] =	vst v47  }
0x48: {  	v51 =	vsel vm5, v22, v6;
	v53 =	vsel vm5, v21, v7;
	v55 =	vsel vm7, v25, v9;
	v50 =	vld [tilespmem:s16+$0x1010];
	[tilespmem:s15+$0x3010] =	vst v49  }
0x49: {  	v57 =	vsel vm7, v24, v10;
	v12 =	vsel vm6, v27, v12;
	v52 =	vld [tilespmem:s16+$0x20];
	[tilespmem:s15+$0x2020] =	vst v51;
	v58 =	vadd.f32 v31, v8  }
0x4a: {  	v62 =	vsel vm6, v23, v11;
	vm8 =	vmand vm4, vm8;
	v13 =	vsel vm2, v28, v13;
	v54 =	vld [tilespmem:s16+$0x1020];
	[tilespmem:s15+$0x3020] =	vst v53  }
0x4b: {  	vm15 =	vlt.f32 v8, v31;
	v60 =	vmul.f32 $1.250000000e+00, v31;
	v56 =	vld [tilespmem:s16+$0x30];
	[tilespmem:s15+$0x2030] =	vst v55;
	vm7 =	vge.f32 v58, $0.0e+00  }
0x4c: {  	v15 =	vsel vm2, v26, v15;
	v0 =	vsel vm0, v1, v0;
	v59 =	vld [tilespmem:s16+$0x1030];
	[tilespmem:s15+$0x3030] =	vst v57;
	vm1 =	vmand vm15, vm7  }
0x4d: {  	v28 =	vsel vm8, v30, v16;
	v29 =	vsel vm8, v29, v17;
	v61 =	vld [tilespmem:s16+$0x40];
	[tilespmem:s15+$0x2040] =	vst v12;
	v2 =	vsel vm1, v60, v31  }
0x4e: {  	v32 =	vmul.f32 $7.500000000e-01, v14;
	v30 =	vadd.f32 v46, v14;
	vm9 =	vlt.f32 v14, v46;
	v12 =	vld [tilespmem:s16+$0x1040];
	[tilespmem:s16+$0x3070] =	vst v2  }
0x4f: {  	v33 =	vmul.f32 $1.250000000e+00, v46;
	v36 =	vmul.f32 $7.500000000e-01, v48;
	v34 =	vadd.f32 v50, v48;
	v63 =	vld [tilespmem:s16+$0x50];
	[tilespmem:s15+$0x3040] =	vst v62  }
0x50: {  	vm10 =	vge.f32 v30, $0.0e+00;
	vm11 =	vlt.f32 v48, v50;
	v38 =	vmul.f32 $1.250000000e+00, v50;
	v31 =	vld [tilespmem:s16+$0x1050];
	[tilespmem:s15+$0x2050] =	vst v13  }
0x51: {  	v40 =	vmul.f32 $7.500000000e-01, v52;
	vm0 =	vmand vm9, vm10;
	v37 =	vadd.f32 v54, v52;
	v35 =	vld [tilespmem:s16+$0x60];
	[tilespmem:s15+$0x3050] =	vst v15  }
0x52: {  	vm12 =	vge.f32 v34, $0.0e+00;
	vm13 =	vlt.f32 v52, v54;
	v41 =	vmul.f32 $1.250000000e+00, v54;
	v39 =	vld [tilespmem:s16+$0x1060];
	[tilespmem:s15+$0x2060] =	vst v28  }
0x53: {  	v45 =	vsel vm0, v32, v14;
	v46 =	vsel vm0, v33, v46;
	v43 =	vmul.f32 $7.500000000e-01, v56;
	[tilespmem:s15+$0x3060] =	vst v29  }
0x54: {  	vm3 =	vmand vm11, vm12;
	vm14 =	vge.f32 v37, $0.0e+00;
	vm15 =	vlt.f32 v56, v59;
	[tilespmem:s15+$0x2070] =	vst v0  }
0x55: {  	v42 =	vadd.f32 v59, v56;
	v44 =	vmul.f32 $1.250000000e+00, v59;
	v48 =	vsel vm3, v36, v48;
	[tilespmem:s16+$0x2000] =	vst v45  }
0x56: {  	v50 =	vsel vm3, v38, v50;
	v49 =	vmul.f32 $7.500000000e-01, v61;
	vm10 =	vmand vm13, vm14;
	[tilespmem:s16+$0x3000] =	vst v46  }
0x57: {  	vm8 =	vge.f32 v42, $0.0e+00;
	vm9 =	vlt.f32 v61, v12;
	v47 =	vadd.f32 v12, v61;
	[tilespmem:s16+$0x2010] =	vst v48  }
0x58: {  	v51 =	vmul.f32 $1.250000000e+00, v12;
	v52 =	vsel vm10, v40, v52;
	[tilespmem:s16+$0x3010] =	vst v50;
	v53 =	vsel vm10, v41, v54  }
0x59: {  	v55 =	vmul.f32 $7.500000000e-01, v63;
	vm2 =	vmand vm15, vm8;
	[tilespmem:s16+$0x2020] =	vst v52;
	vm11 =	vge.f32 v47, $0.0e+00  }
0x5a: {  	[tilespmem:s16+$0x3020] =	vst v53;
	vm12 =	vlt.f32 v63, v31;
	v54 =	vadd.f32 v31, v63;
	v56 =	vsel vm2, v43, v56  }
0x5b: {  	v57 =	vmul.f32 $1.250000000e+00, v31;
	v58 =	vsel vm2, v44, v59;
	vm0 =	vmand vm9, vm11;
	[tilespmem:s16+$0x2030] =	vst v56  }
0x5c: {  	[tilespmem:s16+$0x3030] =	vst v58;
	vm13 =	vge.f32 v54, $0.0e+00;
	v59 =	vadd.f32 v39, v35;
	v1 =	vsel vm0, v49, v61  }
0x5d: {  	v60 =	vmul.f32 $7.500000000e-01, v35;
	v2 =	vsel vm0, v51, v12;
	vm2 =	vmand vm12, vm13;
	[tilespmem:s16+$0x2040] =	vst v1  }
0x5e: {  	vm14 =	vlt.f32 v35, v39;
	[tilespmem:s16+$0x3040] =	vst v2;
	vm15 =	vge.f32 v59, $0.0e+00;
	v61 =	vsel vm2, v55, v63  }
0x5f: {  	v62 =	vmul.f32 $1.250000000e+00, v39;
	v3 =	vsel vm2, v57, v31;
	vm0 =	vmand vm14, vm15;
	[tilespmem:s16+$0x2050] =	vst v61  }
0x60: {  	v63 =	vmul.f32 $7.500000000e-01, v8;
	[tilespmem:s16+$0x3050] =	vst v3;
	v1 =	vsel vm0, v60, v35  }
0x61: {  	v2 =	vsel vm0, v62, v39;
	[tilespmem:s16+$0x2060] =	vst v1  }
0x62: {  	v0 =	vsel vm1, v63, v8;
	[tilespmem:s16+$0x3060] =	vst v2  }
0x63: {  	[tilespmem:s16+$0x2070] =	vst v0  }
0x64: {  	[hbm4b:s5+s2] =	stream.linear.scatter [tilespmem:s12], [sflag:$0x1], $0x1000, $0x38;
	[tilespmem:$0x4000] =	vst v63  }
0x65: {  	s14 =	sadd.s32 $0x1, s14;
	_ =	swait.ge [sflag:s10], $0x1000  }
0x66: {  	p0 =	sne.s32 s14, s7;
	[sflag:s10] =	ssyncset.done $0x0  }
.Ltmp1:
0x67: {  	[sflag:s10] =	ssyncadd.s32 $0xFFFFF000;
	(pc) =	sbr.rel @p0 .LBB2_1-.Ltmp1, $4  }
0x68: {  	[hbm4b:s6+s2] =	stream.linear.scatter [tilespmem:s13], [sflag:$0x1], $0x1000, $0x38;
	[tilespmem:$0x4000] =	vst v63  }
0x69: {  	_ =	swait.ge [sflag:s10], $0x1000  }
0x6a: {  	[sflag:s10] =	ssyncset.done $0x0  }
0x6b: {  	[sflag:s10] =	ssyncadd.s32 $0xFFFFF000  }
0x6c: {  	_ =	sfence.sel $0x180000  }
0x6d: {  	[bflag:$0x0] =	sbarrier.arrive $0xFFFF  }
0x6e: {  	p0 =	sne.s32 s1, $0x0;
	_ =	strace $0x90000047  }
0x6f: {  	s0 =	sadd.s32 @!p0 $0x100000, s0;
	[bflag:$0x2] =	sbarrier.arrive $0xFFFF  }
0x70: {  	[sflag:s0] =	ssyncadd.tile.s32 @!p0 $0x1;
	_ =	shalt  }
.Lfunc_end2:
_tile_overlayer_lowered:
.L_overlay_start_2:
0x71: {  	(tag) =	ssettag $0x2  }
0x72: {  	s0 =	rddreg [dreg:$0x0];
	s2 =	stileid.u32  }
0x73: {  	s1 =	rddreg [dreg:$0x1];
	p0 =	sne.s32 s2, $0x0  }
0x74: {  	s3 =	rddreg [dreg:$0x2];
	[bflag:$0x3] =	sbarrier.arrive $0xFFFF;
	s2 =	simm.s32 @!p0 $0x1C01  }
0x75: {  	[timem:s3], [sflag:s2] =	dma.local @!p0 [hbm:s0], s1  }
0x76: {  	s0 =	simm.s32 @!p0 $0x1  }
0x77: {  	_ =	swait.ge @!p0 [sflag:s0], s1  }
0x78: {  	s1 =	ssub.s32 @!p0 $0x0, s1;
	[sflag:s0] =	ssyncset.done @!p0 $0x0  }
0x79: {  	[sflag:s0] =	ssyncadd.s32 @!p0 s1  }
0x7a: {  	[bflag:$0x3] =	sbarrier.arrive $0xFFFF  }
0x7b: {  	_ =	shalt  }

</sc_bundles>
